<compile_context>
chip_gen: v7x
topology: tpu7x:2x2x1
jax: 0.10.2.dev20260603
libtpu: 0.0.44.dev20260713+nightly
codegen_flags: <defaults>
</compile_context>

<pallas_src>
import functools

import jax
import jax.numpy as jnp
from jax import lax
from jax.experimental import pallas as pl
from jax.experimental.pallas import tpu as pltpu
from jax.experimental.pallas import tpu_sc as plsc

VOCAB = 1000000
EMBED_DIM = 64
AUX_DIM = 128
TARGET_DIM = 64
BATCH = 16384
HIST = 50

HALF = BATCH // 2
IDX_PER_DMA = 128
GRP = 256
VBLK = 8192


def _transform_body(xt_ref, w1_ref, w2_ref, b1_ref, b2_ref, o_ref):
    wc = lax.dot_general(
        w1_ref[...], w2_ref[...], dimension_numbers=(((0,), (1,)), ((), ())),
        preferred_element_type=jnp.float32,
    )
    bc = lax.dot_general(
        b1_ref[...], w2_ref[...], dimension_numbers=(((1,), (1,)), ((), ())),
        preferred_element_type=jnp.float32,
    ) + b2_ref[...]
    rows = lax.dot_general(
        xt_ref[...], wc, dimension_numbers=(((0,), (0,)), ((), ())),
        preferred_element_type=jnp.float32,
    )
    o_ref[:, 0:EMBED_DIM] = rows + bc


def _tc_transform(table_t, w1, w2, b1r, b2r):
    grid = (pl.cdiv(VOCAB, VBLK),)
    return pl.pallas_call(
        _transform_body,
        grid=grid,
        in_specs=[
            pl.BlockSpec((EMBED_DIM, VBLK), lambda i: (0, i)),
            pl.BlockSpec((AUX_DIM, EMBED_DIM), lambda i: (0, 0)),
            pl.BlockSpec((TARGET_DIM, AUX_DIM), lambda i: (0, 0)),
            pl.BlockSpec((1, AUX_DIM), lambda i: (0, 0)),
            pl.BlockSpec((1, TARGET_DIM), lambda i: (0, 0)),
        ],
        out_specs=pl.BlockSpec((VBLK, 2 * EMBED_DIM), lambda i: (i, 0)),
        out_shape=jax.ShapeDtypeStruct((VOCAB, 2 * EMBED_DIM), jnp.float32),
    )(table_t, w1, w2, b1r, b2r)


def _make_sc_gather():
    info = plsc.get_sparse_core_info()
    nc, ns = info.num_cores, info.num_subcores
    nw = nc * ns
    b_per_w = BATCH // nw
    mesh = plsc.VectorSubcoreMesh(core_axis_name="c", subcore_axis_name="s")

    @functools.partial(
        pl.kernel,
        mesh=mesh,
        out_type=jax.ShapeDtypeStruct((HIST, HALF, 2 * EMBED_DIM), jnp.float32),
        scratch_types=[
            pltpu.VMEM((HIST, b_per_w), jnp.int32),
            pltpu.VMEM((GRP, 2 * EMBED_DIM), jnp.float32),
            pltpu.VMEM((GRP, 2 * EMBED_DIM), jnp.float32),
            pltpu.SemaphoreType.DMA,
            pltpu.SemaphoreType.DMA,
            pltpu.SemaphoreType.DMA,
        ],
        compiler_params=pltpu.CompilerParams(use_tc_tiling_on_sc=False),
    )
    def gather_k(tablep_hbm, idxt_hbm, g_hbm, idx_v, rows_a, rows_b, sem_g,
                 sem_a, sem_b):
        wid = lax.axis_index("s") * nc + lax.axis_index("c")
        half = wid // (nw // 2)
        rs = (wid % (nw // 2)) * b_per_w
        b0 = half * HALF + rs
        cs = half * EMBED_DIM
        pltpu.sync_copy(idxt_hbm.at[:, pl.ds(b0, b_per_w)], idx_v)

        def drain_one(sem):
            pltpu.make_async_copy(
                g_hbm.at[0, pl.ds(rs, GRP), pl.ds(cs, EMBED_DIM)],
                rows_a.at[pl.ds(0, GRP), pl.ds(0, EMBED_DIM)],
                sem,
            ).wait()

        def do_half(l, h, rows_v, sem_s):
            handles = []
            for j in range(GRP // IDX_PER_DMA):
                hd = pltpu.async_copy(
                    tablep_hbm.at[
                        idx_v.at[l, pl.ds(h * GRP + j * IDX_PER_DMA, IDX_PER_DMA)]
                    ],
                    rows_v.at[pl.ds(j * IDX_PER_DMA, IDX_PER_DMA)],
                    sem_g,
                )
                handles.append(hd)
            for hd in handles:
                hd.wait()
            pltpu.async_copy(
                rows_v.at[pl.ds(0, GRP), pl.ds(0, EMBED_DIM)],
                g_hbm.at[l, pl.ds(rs + h * GRP, GRP), pl.ds(cs, EMBED_DIM)],
                sem_s,
            )

        def body(l, carry):
            @pl.when(l >= 1)
            def _():
                drain_one(sem_a)

            do_half(l, 0, rows_a, sem_a)

            @pl.when(l >= 1)
            def _():
                drain_one(sem_b)

            do_half(l, 1, rows_b, sem_b)
            return carry

        lax.fori_loop(0, HIST, body, 0)
        drain_one(sem_a)
        drain_one(sem_b)

    return gather_k


_sc_gather = _make_sc_gather()


def _transpose_body(x_ref, o_ref):
    x = x_ref[0]
    r = lax.broadcasted_iota(jnp.int32, (AUX_DIM, AUX_DIM), 0)
    c = lax.broadcasted_iota(jnp.int32, (AUX_DIM, AUX_DIM), 1)
    eye = jnp.where(r == c, 1.0, 0.0).astype(jnp.float32)
    o2t = lax.dot_general(
        eye, x, dimension_numbers=(((1,), (1,)), ((), ())),
        preferred_element_type=jnp.float32,
    )
    o_ref[0, :, 0:HALF] = o2t[0:TARGET_DIM, :]
    o_ref[0, :, HALF:BATCH] = o2t[TARGET_DIM:2 * TARGET_DIM, :]


def _tc_transpose(g):
    return pl.pallas_call(
        _transpose_body,
        grid=(HIST,),
        in_specs=[pl.BlockSpec((1, HALF, 2 * EMBED_DIM), lambda l: (l, 0, 0))],
        out_specs=pl.BlockSpec((1, TARGET_DIM, BATCH), lambda l: (l, 0, 0)),
        out_shape=jax.ShapeDtypeStruct((HIST, TARGET_DIM, BATCH), jnp.float32),
    )(g)


def kernel(indices, table, W1, b1, W2, b2):
    idx_t = indices.astype(jnp.int32).T
    t2p = _tc_transform(
        table.T,
        W1, W2, b1.reshape(1, AUX_DIM), b2.reshape(1, TARGET_DIM),
    )
    g = _sc_gather(t2p, idx_t)
    out_t = _tc_transpose(g)
    return jnp.transpose(out_t, (2, 0, 1))

# --- scband reference (transcript-rebuilt; emitter-appended) ---
"""Pipeline reference for scband-pass-through-auxiliary-space-word-embedding-8735963480689 (READ-ONLY COPY).

The authoritative reference and input builder live on the scoring server;
editing this copy changes nothing except your own understanding.
"""

import jax, jax.numpy as jnp
import numpy as np

VOCAB = 1000000
EMBED_DIM = 64
AUX_DIM = 128
TARGET_DIM = 64
BATCH = 16384
HIST = 50


def setup_inputs(seed: int = 0) -> dict:
    key = jax.random.key(seed)
    k_idx, k_tab, k_w1, k_b1, k_w2, k_b2 = jax.random.split(key, 6)
    indices = jax.random.randint(k_idx, (BATCH, HIST), 0, VOCAB, dtype=jnp.int64)
    table = jax.random.normal(k_tab, (VOCAB, EMBED_DIM), dtype=jnp.float32) * 0.02
    # Linear layers: PyTorch stores weight as [out, in]; y = x @ W.T + b
    W1 = jax.random.normal(k_w1, (AUX_DIM, EMBED_DIM), dtype=jnp.float32) * (1.0 / np.sqrt(EMBED_DIM))
    b1 = jax.random.normal(k_b1, (AUX_DIM,), dtype=jnp.float32) * 0.01
    W2 = jax.random.normal(k_w2, (TARGET_DIM, AUX_DIM), dtype=jnp.float32) * (1.0 / np.sqrt(AUX_DIM))
    b2 = jax.random.normal(k_b2, (TARGET_DIM,), dtype=jnp.float32) * 0.01
    return {"indices": indices, "table": table, "W1": W1, "b1": b1, "W2": W2, "b2": b2}


def reference(indices, table, W1, b1, W2, b2):
    # primary_embedding lookup (gather)
    pri_vecs = jnp.take(table, indices, axis=0)  # [B, L, EMBED_DIM]
    # primary2auxiliary Linear
    aux_vecs = pri_vecs @ W1.T + b1              # [B, L, AUX_DIM]
    # auxiliary2target Linear
    tar_vecs = aux_vecs @ W2.T + b2              # [B, L, TARGET_DIM]
    return tar_vecs

if __name__ == "__main__":
    import jax
    _d = setup_inputs()
    print(jax.jit(kernel)(*tuple(_d.values())))

</pallas_src>

<mosaic_0001>
#map = affine_map<(d0, d1) -> (0, 0)>
#map1 = affine_map<(d0, d1) -> (0, 0, 0)>
module attributes {stable_mosaic.version = 14 : i64} {
  func.func @gather_k(%arg0: i32, %arg1: i32, %arg2: memref<1000000x128xf32, #tpu.memory_space<hbm>>, %arg3: memref<50x16384xi32, #tpu.memory_space<hbm>>, %arg4: memref<50x8192x128xf32, #tpu.memory_space<hbm>>, %arg5: memref<50x512xi32, #tpu.memory_space<vmem>>, %arg6: memref<256x128xf32, #tpu.memory_space<vmem>>, %arg7: memref<256x128xf32, #tpu.memory_space<vmem>>, %arg8: memref<!tpu.dma_semaphore, #tpu.memory_space<semaphore_mem>>, %arg9: memref<!tpu.dma_semaphore, #tpu.memory_space<semaphore_mem>>, %arg10: memref<!tpu.dma_semaphore, #tpu.memory_space<semaphore_mem>>) attributes {dimension_semantics = [#tpu.dimension_semantics<core_parallel>, #tpu.dimension_semantics<subcore_parallel>], iteration_bounds = array<i64: 2, 16>, scalar_prefetch = 0 : i64, scratch_operands = 6 : i64, tpu.core_type = #tpu.core_type<sc_vector_subcore>, window_params = [{transform_indices = #map}, {transform_indices = #map}, {transform_indices = #map1}]} {
    %mul3A = arith.constant 2 : i32
    %mul3A_0 = arith.muli %arg1, %mul3A : i32
    %add3A = arith.addi %mul3A_0, %arg0 : i32
    %jit3A = arith.constant 16 : i32
    %div3A = arith.divsi %add3A, %jit3A : i32
    %sign3A = arith.constant 0 : i32
    %sign3A_1 = arith.cmpi sgt, %add3A, %sign3A : i32
    %sign3A_2 = arith.extui %sign3A_1 : i1 to i32
    %sign3A_3 = arith.constant 0 : i32
    %sign3A_4 = arith.cmpi slt, %add3A, %sign3A_3 : i32
    %sign3A_5 = arith.extui %sign3A_4 : i1 to i32
    %sign3A_6 = arith.subi %sign3A_2, %sign3A_5 : i32
    %sign3A_7 = arith.constant 0 : i32
    %sign3A_8 = arith.cmpi sgt, %jit3A, %sign3A_7 : i32
    %sign3A_9 = arith.extui %sign3A_8 : i1 to i32
    %sign3A_10 = arith.constant 0 : i32
    %sign3A_11 = arith.cmpi slt, %jit3A, %sign3A_10 : i32
    %sign3A_12 = arith.extui %sign3A_11 : i1 to i32
    %sign3A_13 = arith.subi %sign3A_9, %sign3A_12 : i32
    %ne3A = arith.cmpi ne, %sign3A_6, %sign3A_13 : i32
    %rem3A = arith.remsi %add3A, %jit3A : i32
    %ne3A_14 = arith.constant 0 : i32
    %ne3A_15 = arith.cmpi ne, %rem3A, %ne3A_14 : i32
    %and3A = arith.andi %ne3A, %ne3A_15 : i1
    %sub3A = arith.constant 1 : i32
    %sub3A_16 = arith.subi %div3A, %sub3A : i32
    %select_n3A = arith.select %and3A, %sub3A_16, %div3A : i32
    %jit3A_17 = arith.constant 16 : i32
    %eq3A = arith.constant 0 : i32
    %eq3A_18 = arith.cmpi eq, %jit3A_17, %eq3A : i32
    %jit3A_19 = arith.constant 1 : i32
    %select_n3A_20 = arith.select %eq3A_18, %jit3A_19, %jit3A_17 : i32
    %rem3A_21 = arith.remsi %add3A, %select_n3A_20 : i32
    %ne3A_22 = arith.constant 0 : i32
    %ne3A_23 = arith.cmpi ne, %rem3A_21, %ne3A_22 : i32
    %lt3A = arith.constant 0 : i32
    %lt3A_24 = arith.cmpi slt, %rem3A_21, %lt3A : i32
    %lt3A_25 = arith.constant 0 : i32
    %lt3A_26 = arith.cmpi slt, %select_n3A_20, %lt3A_25 : i32
    %ne3A_27 = arith.xori %lt3A_24, %lt3A_26 : i1
    %and3A_28 = arith.andi %ne3A_27, %ne3A_23 : i1
    %add3A_29 = arith.addi %rem3A_21, %select_n3A_20 : i32
    %select_n3A_30 = arith.select %and3A_28, %add3A_29, %rem3A_21 : i32
    %mul3A_31 = arith.constant 512 : i32
    %mul3A_32 = arith.muli %select_n3A_30, %mul3A_31 : i32
    %mul3A_33 = arith.constant 8192 : i32
    %mul3A_34 = arith.muli %select_n3A, %mul3A_33 : i32
    %add3A_35 = arith.addi %mul3A_34, %mul3A_32 : i32
    %mul3A_36 = arith.constant 64 : i32
    %mul3A_37 = arith.muli %select_n3A, %mul3A_36 : i32
    "tpu.region"() ({
      %run_scoped3A = tpu.sem_alloc : memref<!tpu.dma_semaphore, #tpu.memory_space<semaphore_mem>>
      %dma_start3A = arith.constant 0 : i32
      %dma_start3A_64 = tpu.memref_slice %arg3[%dma_start3A, %add3A_35] : memref<50x16384xi32, #tpu.memory_space<hbm>> -> memref<50x512xi32, #tpu.memory_space<hbm>>
      %dma_start3A_65 = arith.constant 0 : i32
      %dma_start3A_66 = tpu.memref_slice %arg3[%dma_start3A_65, %add3A_35] : memref<50x16384xi32, #tpu.memory_space<hbm>> -> memref<50x512xi32, #tpu.memory_space<hbm>>
      tpu.enqueue_dma source(%dma_start3A_66 : memref<50x512xi32, #tpu.memory_space<hbm>>) target(%arg5 : memref<50x512xi32, #tpu.memory_space<vmem>>) target_semaphore(%run_scoped3A : memref<!tpu.dma_semaphore, #tpu.memory_space<semaphore_mem>>)
      %dma_wait3A_67 = arith.constant 0 : i32
      %dma_wait3A_68 = tpu.memref_slice %arg3[%dma_wait3A_67, %add3A_35] : memref<50x16384xi32, #tpu.memory_space<hbm>> -> memref<50x512xi32, #tpu.memory_space<hbm>>
      %dma_wait3A_69 = arith.constant 0 : i32
      %dma_wait3A_70 = tpu.memref_slice %arg3[%dma_wait3A_69, %add3A_35] : memref<50x16384xi32, #tpu.memory_space<hbm>> -> memref<50x512xi32, #tpu.memory_space<hbm>>
      tpu.wait_dma2 semaphore(%run_scoped3A : memref<!tpu.dma_semaphore, #tpu.memory_space<semaphore_mem>>) src(%dma_wait3A_70 : memref<50x512xi32, #tpu.memory_space<hbm>>) dst(%arg5 : memref<50x512xi32, #tpu.memory_space<vmem>>)
      tpu.yield
    }) : () -> ()
    %scan3A = arith.constant 0 : i32
    %scan3A_38 = arith.constant 0 : i32
    %scan3A_39 = arith.constant 50 : i32
    %scan3A_40 = arith.addi %scan3A_38, %scan3A_39 : i32
    %scan3A_41 = arith.constant 1 : i32
    scf.for %scan3A_64 = %scan3A_38 to %scan3A_40 step %scan3A_41  : i32 {
      %ge3A = arith.constant 1 : i32
      %ge3A_65 = arith.cmpi sge, %scan3A_64, %ge3A : i32
      %convert_element_type3A = arith.extui %ge3A_65 : i1 to i32
      %cond3A = arith.constant 0 : i32
      %cond3A_66 = arith.cmpi ne, %convert_element_type3A, %cond3A : i32
      scf.if %cond3A_66 {
        %dma_wait3A_167 = arith.constant 0 : i32
        %dma_wait3A_168 = arith.constant 0 : i32
        %dma_wait3A_169 = arith.constant 0 : i32
        %dma_wait3A_170 = tpu.memref_slice %arg6[%dma_wait3A_168, %dma_wait3A_169] : memref<256x128xf32, #tpu.memory_space<vmem>> -> memref<256x64xf32, #tpu.memory_space<vmem>>
        %dma_wait3A_171 = tpu.memref_slice %arg4[%dma_wait3A_167, %mul3A_32, %mul3A_37] : memref<50x8192x128xf32, #tpu.memory_space<hbm>> -> memref<1x256x64xf32, #tpu.memory_space<hbm>>
        %dma_wait3A_172 = tpu.memref_squeeze %dma_wait3A_171 : memref<1x256x64xf32, #tpu.memory_space<hbm>> -> memref<256x64xf32, #tpu.memory_space<hbm>>
        %dma_wait3A_173 = arith.constant 0 : i32
        %dma_wait3A_174 = arith.constant 0 : i32
        %dma_wait3A_175 = tpu.memref_slice %arg6[%dma_wait3A_173, %dma_wait3A_174] : memref<256x128xf32, #tpu.memory_space<vmem>> -> memref<256x64xf32, #tpu.memory_space<vmem>>
        %dma_wait3A_176 = tpu.memref_slice %arg4[%dma_wait3A_167, %mul3A_32, %mul3A_37] : memref<50x8192x128xf32, #tpu.memory_space<hbm>> -> memref<1x256x64xf32, #tpu.memory_space<hbm>>
        %dma_wait3A_177 = tpu.memref_squeeze %dma_wait3A_176 : memref<1x256x64xf32, #tpu.memory_space<hbm>> -> memref<256x64xf32, #tpu.memory_space<hbm>>
        tpu.wait_dma2 semaphore(%arg9 : memref<!tpu.dma_semaphore, #tpu.memory_space<semaphore_mem>>) src(%dma_wait3A_177 : memref<256x64xf32, #tpu.memory_space<hbm>>) dst(%dma_wait3A_175 : memref<256x64xf32, #tpu.memory_space<vmem>>)
      } else {
      }
      %dma_start3A = arith.constant 0 : i32
      %dma_start3A_67 = arith.constant 0 : i32
      %dma_start3A_68 = tpu.memref_slice %arg6[%dma_start3A, %dma_start3A_67] : memref<256x128xf32, #tpu.memory_space<vmem>> -> memref<128x128xf32, #tpu.memory_space<vmem>>
      %dma_start3A_69 = arith.constant 0 : i32
      %dma_start3A_70 = tpu.memref_slice %arg5[%scan3A_64, %dma_start3A_69] : memref<50x512xi32, #tpu.memory_space<vmem>> -> memref<1x128xi32, #tpu.memory_space<vmem>>
      %dma_start3A_71 = tpu.memref_squeeze %dma_start3A_70 : memref<1x128xi32, #tpu.memory_space<vmem>> -> memref<128xi32, #tpu.memory_space<vmem>>
      %dma_start3A_72 = arith.constant 0 : i32
      %dma_start3A_73 = arith.constant 0 : i32
      %dma_start3A_74 = tpu.memref_slice %arg2[%dma_start3A_72, %dma_start3A_73] : memref<1000000x128xf32, #tpu.memory_space<hbm>> -> memref<1000000x128xf32, #tpu.memory_space<hbm>>
      tpu.enqueue_indirect_dma source(%dma_start3A_74 : memref<1000000x128xf32, #tpu.memory_space<hbm>>) target(%dma_start3A_68 : memref<128x128xf32, #tpu.memory_space<vmem>>) offsets(%dma_start3A_71 : memref<128xi32, #tpu.memory_space<vmem>>) semaphore(%arg8 : memref<!tpu.dma_semaphore, #tpu.memory_space<semaphore_mem>>)
      %dma_start3A_75 = arith.constant 128 : i32
      %dma_start3A_76 = arith.constant 0 : i32
      %dma_start3A_77 = tpu.memref_slice %arg6[%dma_start3A_75, %dma_start3A_76] : memref<256x128xf32, #tpu.memory_space<vmem>> -> memref<128x128xf32, #tpu.memory_space<vmem>>
      %dma_start3A_78 = arith.constant 128 : i32
      %dma_start3A_79 = tpu.memref_slice %arg5[%scan3A_64, %dma_start3A_78] : memref<50x512xi32, #tpu.memory_space<vmem>> -> memref<1x128xi32, #tpu.memory_space<vmem>>
      %dma_start3A_80 = tpu.memref_squeeze %dma_start3A_79 : memref<1x128xi32, #tpu.memory_space<vmem>> -> memref<128xi32, #tpu.memory_space<vmem>>
      %dma_start3A_81 = arith.constant 0 : i32
      %dma_start3A_82 = arith.constant 0 : i32
      %dma_start3A_83 = tpu.memref_slice %arg2[%dma_start3A_81, %dma_start3A_82] : memref<1000000x128xf32, #tpu.memory_space<hbm>> -> memref<1000000x128xf32, #tpu.memory_space<hbm>>
      tpu.enqueue_indirect_dma source(%dma_start3A_83 : memref<1000000x128xf32, #tpu.memory_space<hbm>>) target(%dma_start3A_77 : memref<128x128xf32, #tpu.memory_space<vmem>>) offsets(%dma_start3A_80 : memref<128xi32, #tpu.memory_space<vmem>>) semaphore(%arg8 : memref<!tpu.dma_semaphore, #tpu.memory_space<semaphore_mem>>)
      %dma_wait3A_84 = arith.constant 0 : i32
      %dma_wait3A_85 = arith.constant 0 : i32
      %dma_wait3A_86 = tpu.memref_slice %arg6[%dma_wait3A_84, %dma_wait3A_85] : memref<256x128xf32, #tpu.memory_space<vmem>> -> memref<128x128xf32, #tpu.memory_space<vmem>>
      %dma_wait3A_87 = arith.constant 0 : i32
      %dma_wait3A_88 = tpu.memref_slice %arg5[%scan3A_64, %dma_wait3A_87] : memref<50x512xi32, #tpu.memory_space<vmem>> -> memref<1x128xi32, #tpu.memory_space<vmem>>
      %dma_wait3A_89 = tpu.memref_squeeze %dma_wait3A_88 : memref<1x128xi32, #tpu.memory_space<vmem>> -> memref<128xi32, #tpu.memory_space<vmem>>
      %dma_wait3A_90 = arith.constant 0 : i32
      %dma_wait3A_91 = arith.constant 0 : i32
      %dma_wait3A_92 = tpu.memref_slice %arg2[%dma_wait3A_90, %dma_wait3A_91] : memref<1000000x128xf32, #tpu.memory_space<hbm>> -> memref<1000000x128xf32, #tpu.memory_space<hbm>>
      tpu.wait_indirect_dma semaphore(%arg8 : memref<!tpu.dma_semaphore, #tpu.memory_space<semaphore_mem>>) src(%dma_wait3A_92 : memref<1000000x128xf32, #tpu.memory_space<hbm>>) dst(%dma_wait3A_86 : memref<128x128xf32, #tpu.memory_space<vmem>>)
      %dma_wait3A_93 = arith.constant 128 : i32
      %dma_wait3A_94 = arith.constant 0 : i32
      %dma_wait3A_95 = tpu.memref_slice %arg6[%dma_wait3A_93, %dma_wait3A_94] : memref<256x128xf32, #tpu.memory_space<vmem>> -> memref<128x128xf32, #tpu.memory_space<vmem>>
      %dma_wait3A_96 = arith.constant 128 : i32
      %dma_wait3A_97 = tpu.memref_slice %arg5[%scan3A_64, %dma_wait3A_96] : memref<50x512xi32, #tpu.memory_space<vmem>> -> memref<1x128xi32, #tpu.memory_space<vmem>>
      %dma_wait3A_98 = tpu.memref_squeeze %dma_wait3A_97 : memref<1x128xi32, #tpu.memory_space<vmem>> -> memref<128xi32, #tpu.memory_space<vmem>>
      %dma_wait3A_99 = arith.constant 0 : i32
      %dma_wait3A_100 = arith.constant 0 : i32
      %dma_wait3A_101 = tpu.memref_slice %arg2[%dma_wait3A_99, %dma_wait3A_100] : memref<1000000x128xf32, #tpu.memory_space<hbm>> -> memref<1000000x128xf32, #tpu.memory_space<hbm>>
      tpu.wait_indirect_dma semaphore(%arg8 : memref<!tpu.dma_semaphore, #tpu.memory_space<semaphore_mem>>) src(%dma_wait3A_101 : memref<1000000x128xf32, #tpu.memory_space<hbm>>) dst(%dma_wait3A_95 : memref<128x128xf32, #tpu.memory_space<vmem>>)
      %add3A_102 = arith.constant 0 : i32
      %add3A_103 = arith.addi %mul3A_32, %add3A_102 : i32
      %dma_start3A_104 = arith.constant 0 : i32
      %dma_start3A_105 = arith.constant 0 : i32
      %dma_start3A_106 = tpu.memref_slice %arg6[%dma_start3A_104, %dma_start3A_105] : memref<256x128xf32, #tpu.memory_space<vmem>> -> memref<256x64xf32, #tpu.memory_space<vmem>>
      %dma_start3A_107 = tpu.memref_slice %arg4[%scan3A_64, %add3A_103, %mul3A_37] : memref<50x8192x128xf32, #tpu.memory_space<hbm>> -> memref<1x256x64xf32, #tpu.memory_space<hbm>>
      %dma_start3A_108 = tpu.memref_squeeze %dma_start3A_107 : memref<1x256x64xf32, #tpu.memory_space<hbm>> -> memref<256x64xf32, #tpu.memory_space<hbm>>
      %dma_start3A_109 = tpu.memref_slice %arg4[%scan3A_64, %add3A_103, %mul3A_37] : memref<50x8192x128xf32, #tpu.memory_space<hbm>> -> memref<1x256x64xf32, #tpu.memory_space<hbm>>
      %dma_start3A_110 = tpu.memref_squeeze %dma_start3A_109 : memref<1x256x64xf32, #tpu.memory_space<hbm>> -> memref<256x64xf32, #tpu.memory_space<hbm>>
      %dma_start3A_111 = arith.constant 0 : i32
      %dma_start3A_112 = arith.constant 0 : i32
      %dma_start3A_113 = tpu.memref_slice %arg6[%dma_start3A_111, %dma_start3A_112] : memref<256x128xf32, #tpu.memory_space<vmem>> -> memref<256x64xf32, #tpu.memory_space<vmem>>
      tpu.enqueue_dma source(%dma_start3A_113 : memref<256x64xf32, #tpu.memory_space<vmem>>) target(%dma_start3A_110 : memref<256x64xf32, #tpu.memory_space<hbm>>) target_semaphore(%arg9 : memref<!tpu.dma_semaphore, #tpu.memory_space<semaphore_mem>>)
      %ge3A_114 = arith.constant 1 : i32
      %ge3A_115 = arith.cmpi sge, %scan3A_64, %ge3A_114 : i32
      %convert_element_type3A_116 = arith.extui %ge3A_115 : i1 to i32
      %cond3A_117 = arith.constant 0 : i32
      %cond3A_118 = arith.cmpi ne, %convert_element_type3A_116, %cond3A_117 : i32
      scf.if %cond3A_118 {
        %dma_wait3A_167 = arith.constant 0 : i32
        %dma_wait3A_168 = arith.constant 0 : i32
        %dma_wait3A_169 = arith.constant 0 : i32
        %dma_wait3A_170 = tpu.memref_slice %arg6[%dma_wait3A_168, %dma_wait3A_169] : memref<256x128xf32, #tpu.memory_space<vmem>> -> memref<256x64xf32, #tpu.memory_space<vmem>>
        %dma_wait3A_171 = tpu.memref_slice %arg4[%dma_wait3A_167, %mul3A_32, %mul3A_37] : memref<50x8192x128xf32, #tpu.memory_space<hbm>> -> memref<1x256x64xf32, #tpu.memory_space<hbm>>
        %dma_wait3A_172 = tpu.memref_squeeze %dma_wait3A_171 : memref<1x256x64xf32, #tpu.memory_space<hbm>> -> memref<256x64xf32, #tpu.memory_space<hbm>>
        %dma_wait3A_173 = arith.constant 0 : i32
        %dma_wait3A_174 = arith.constant 0 : i32
        %dma_wait3A_175 = tpu.memref_slice %arg6[%dma_wait3A_173, %dma_wait3A_174] : memref<256x128xf32, #tpu.memory_space<vmem>> -> memref<256x64xf32, #tpu.memory_space<vmem>>
        %dma_wait3A_176 = tpu.memref_slice %arg4[%dma_wait3A_167, %mul3A_32, %mul3A_37] : memref<50x8192x128xf32, #tpu.memory_space<hbm>> -> memref<1x256x64xf32, #tpu.memory_space<hbm>>
        %dma_wait3A_177 = tpu.memref_squeeze %dma_wait3A_176 : memref<1x256x64xf32, #tpu.memory_space<hbm>> -> memref<256x64xf32, #tpu.memory_space<hbm>>
        tpu.wait_dma2 semaphore(%arg10 : memref<!tpu.dma_semaphore, #tpu.memory_space<semaphore_mem>>) src(%dma_wait3A_177 : memref<256x64xf32, #tpu.memory_space<hbm>>) dst(%dma_wait3A_175 : memref<256x64xf32, #tpu.memory_space<vmem>>)
      } else {
      }
      %dma_start3A_119 = arith.constant 0 : i32
      %dma_start3A_120 = arith.constant 0 : i32
      %dma_start3A_121 = tpu.memref_slice %arg7[%dma_start3A_119, %dma_start3A_120] : memref<256x128xf32, #tpu.memory_space<vmem>> -> memref<128x128xf32, #tpu.memory_space<vmem>>
      %dma_start3A_122 = arith.constant 256 : i32
      %dma_start3A_123 = tpu.memref_slice %arg5[%scan3A_64, %dma_start3A_122] : memref<50x512xi32, #tpu.memory_space<vmem>> -> memref<1x128xi32, #tpu.memory_space<vmem>>
      %dma_start3A_124 = tpu.memref_squeeze %dma_start3A_123 : memref<1x128xi32, #tpu.memory_space<vmem>> -> memref<128xi32, #tpu.memory_space<vmem>>
      %dma_start3A_125 = arith.constant 0 : i32
      %dma_start3A_126 = arith.constant 0 : i32
      %dma_start3A_127 = tpu.memref_slice %arg2[%dma_start3A_125, %dma_start3A_126] : memref<1000000x128xf32, #tpu.memory_space<hbm>> -> memref<1000000x128xf32, #tpu.memory_space<hbm>>
      tpu.enqueue_indirect_dma source(%dma_start3A_127 : memref<1000000x128xf32, #tpu.memory_space<hbm>>) target(%dma_start3A_121 : memref<128x128xf32, #tpu.memory_space<vmem>>) offsets(%dma_start3A_124 : memref<128xi32, #tpu.memory_space<vmem>>) semaphore(%arg8 : memref<!tpu.dma_semaphore, #tpu.memory_space<semaphore_mem>>)
      %dma_start3A_128 = arith.constant 128 : i32
      %dma_start3A_129 = arith.constant 0 : i32
      %dma_start3A_130 = tpu.memref_slice %arg7[%dma_start3A_128, %dma_start3A_129] : memref<256x128xf32, #tpu.memory_space<vmem>> -> memref<128x128xf32, #tpu.memory_space<vmem>>
      %dma_start3A_131 = arith.constant 384 : i32
      %dma_start3A_132 = tpu.memref_slice %arg5[%scan3A_64, %dma_start3A_131] : memref<50x512xi32, #tpu.memory_space<vmem>> -> memref<1x128xi32, #tpu.memory_space<vmem>>
      %dma_start3A_133 = tpu.memref_squeeze %dma_start3A_132 : memref<1x128xi32, #tpu.memory_space<vmem>> -> memref<128xi32, #tpu.memory_space<vmem>>
      %dma_start3A_134 = arith.constant 0 : i32
      %dma_start3A_135 = arith.constant 0 : i32
      %dma_start3A_136 = tpu.memref_slice %arg2[%dma_start3A_134, %dma_start3A_135] : memref<1000000x128xf32, #tpu.memory_space<hbm>> -> memref<1000000x128xf32, #tpu.memory_space<hbm>>
      tpu.enqueue_indirect_dma source(%dma_start3A_136 : memref<1000000x128xf32, #tpu.memory_space<hbm>>) target(%dma_start3A_130 : memref<128x128xf32, #tpu.memory_space<vmem>>) offsets(%dma_start3A_133 : memref<128xi32, #tpu.memory_space<vmem>>) semaphore(%arg8 : memref<!tpu.dma_semaphore, #tpu.memory_space<semaphore_mem>>)
      %dma_wait3A_137 = arith.constant 0 : i32
      %dma_wait3A_138 = arith.constant 0 : i32
      %dma_wait3A_139 = tpu.memref_slice %arg7[%dma_wait3A_137, %dma_wait3A_138] : memref<256x128xf32, #tpu.memory_space<vmem>> -> memref<128x128xf32, #tpu.memory_space<vmem>>
      %dma_wait3A_140 = arith.constant 256 : i32
      %dma_wait3A_141 = tpu.memref_slice %arg5[%scan3A_64, %dma_wait3A_140] : memref<50x512xi32, #tpu.memory_space<vmem>> -> memref<1x128xi32, #tpu.memory_space<vmem>>
      %dma_wait3A_142 = tpu.memref_squeeze %dma_wait3A_141 : memref<1x128xi32, #tpu.memory_space<vmem>> -> memref<128xi32, #tpu.memory_space<vmem>>
      %dma_wait3A_143 = arith.constant 0 : i32
      %dma_wait3A_144 = arith.constant 0 : i32
      %dma_wait3A_145 = tpu.memref_slice %arg2[%dma_wait3A_143, %dma_wait3A_144] : memref<1000000x128xf32, #tpu.memory_space<hbm>> -> memref<1000000x128xf32, #tpu.memory_space<hbm>>
      tpu.wait_indirect_dma semaphore(%arg8 : memref<!tpu.dma_semaphore, #tpu.memory_space<semaphore_mem>>) src(%dma_wait3A_145 : memref<1000000x128xf32, #tpu.memory_space<hbm>>) dst(%dma_wait3A_139 : memref<128x128xf32, #tpu.memory_space<vmem>>)
      %dma_wait3A_146 = arith.constant 128 : i32
      %dma_wait3A_147 = arith.constant 0 : i32
      %dma_wait3A_148 = tpu.memref_slice %arg7[%dma_wait3A_146, %dma_wait3A_147] : memref<256x128xf32, #tpu.memory_space<vmem>> -> memref<128x128xf32, #tpu.memory_space<vmem>>
      %dma_wait3A_149 = arith.constant 384 : i32
      %dma_wait3A_150 = tpu.memref_slice %arg5[%scan3A_64, %dma_wait3A_149] : memref<50x512xi32, #tpu.memory_space<vmem>> -> memref<1x128xi32, #tpu.memory_space<vmem>>
      %dma_wait3A_151 = tpu.memref_squeeze %dma_wait3A_150 : memref<1x128xi32, #tpu.memory_space<vmem>> -> memref<128xi32, #tpu.memory_space<vmem>>
      %dma_wait3A_152 = arith.constant 0 : i32
      %dma_wait3A_153 = arith.constant 0 : i32
      %dma_wait3A_154 = tpu.memref_slice %arg2[%dma_wait3A_152, %dma_wait3A_153] : memref<1000000x128xf32, #tpu.memory_space<hbm>> -> memref<1000000x128xf32, #tpu.memory_space<hbm>>
      tpu.wait_indirect_dma semaphore(%arg8 : memref<!tpu.dma_semaphore, #tpu.memory_space<semaphore_mem>>) src(%dma_wait3A_154 : memref<1000000x128xf32, #tpu.memory_space<hbm>>) dst(%dma_wait3A_148 : memref<128x128xf32, #tpu.memory_space<vmem>>)
      %add3A_155 = arith.constant 256 : i32
      %add3A_156 = arith.addi %mul3A_32, %add3A_155 : i32
      %dma_start3A_157 = arith.constant 0 : i32
      %dma_start3A_158 = arith.constant 0 : i32
      %dma_start3A_159 = tpu.memref_slice %arg7[%dma_start3A_157, %dma_start3A_158] : memref<256x128xf32, #tpu.memory_space<vmem>> -> memref<256x64xf32, #tpu.memory_space<vmem>>
      %dma_start3A_160 = tpu.memref_slice %arg4[%scan3A_64, %add3A_156, %mul3A_37] : memref<50x8192x128xf32, #tpu.memory_space<hbm>> -> memref<1x256x64xf32, #tpu.memory_space<hbm>>
      %dma_start3A_161 = tpu.memref_squeeze %dma_start3A_160 : memref<1x256x64xf32, #tpu.memory_space<hbm>> -> memref<256x64xf32, #tpu.memory_space<hbm>>
      %dma_start3A_162 = tpu.memref_slice %arg4[%scan3A_64, %add3A_156, %mul3A_37] : memref<50x8192x128xf32, #tpu.memory_space<hbm>> -> memref<1x256x64xf32, #tpu.memory_space<hbm>>
      %dma_start3A_163 = tpu.memref_squeeze %dma_start3A_162 : memref<1x256x64xf32, #tpu.memory_space<hbm>> -> memref<256x64xf32, #tpu.memory_space<hbm>>
      %dma_start3A_164 = arith.constant 0 : i32
      %dma_start3A_165 = arith.constant 0 : i32
      %dma_start3A_166 = tpu.memref_slice %arg7[%dma_start3A_164, %dma_start3A_165] : memref<256x128xf32, #tpu.memory_space<vmem>> -> memref<256x64xf32, #tpu.memory_space<vmem>>
      tpu.enqueue_dma source(%dma_start3A_166 : memref<256x64xf32, #tpu.memory_space<vmem>>) target(%dma_start3A_163 : memref<256x64xf32, #tpu.memory_space<hbm>>) target_semaphore(%arg10 : memref<!tpu.dma_semaphore, #tpu.memory_space<semaphore_mem>>)
    }
    %scan3A_42 = arith.constant 50 : i32
    %dma_wait3A = arith.constant 0 : i32
    %dma_wait3A_43 = arith.constant 0 : i32
    %dma_wait3A_44 = arith.constant 0 : i32
    %dma_wait3A_45 = tpu.memref_slice %arg6[%dma_wait3A_43, %dma_wait3A_44] : memref<256x128xf32, #tpu.memory_space<vmem>> -> memref<256x64xf32, #tpu.memory_space<vmem>>
    %dma_wait3A_46 = tpu.memref_slice %arg4[%dma_wait3A, %mul3A_32, %mul3A_37] : memref<50x8192x128xf32, #tpu.memory_space<hbm>> -> memref<1x256x64xf32, #tpu.memory_space<hbm>>
    %dma_wait3A_47 = tpu.memref_squeeze %dma_wait3A_46 : memref<1x256x64xf32, #tpu.memory_space<hbm>> -> memref<256x64xf32, #tpu.memory_space<hbm>>
    %dma_wait3A_48 = arith.constant 0 : i32
    %dma_wait3A_49 = arith.constant 0 : i32
    %dma_wait3A_50 = tpu.memref_slice %arg6[%dma_wait3A_48, %dma_wait3A_49] : memref<256x128xf32, #tpu.memory_space<vmem>> -> memref<256x64xf32, #tpu.memory_space<vmem>>
    %dma_wait3A_51 = tpu.memref_slice %arg4[%dma_wait3A, %mul3A_32, %mul3A_37] : memref<50x8192x128xf32, #tpu.memory_space<hbm>> -> memref<1x256x64xf32, #tpu.memory_space<hbm>>
    %dma_wait3A_52 = tpu.memref_squeeze %dma_wait3A_51 : memref<1x256x64xf32, #tpu.memory_space<hbm>> -> memref<256x64xf32, #tpu.memory_space<hbm>>
    tpu.wait_dma2 semaphore(%arg9 : memref<!tpu.dma_semaphore, #tpu.memory_space<semaphore_mem>>) src(%dma_wait3A_52 : memref<256x64xf32, #tpu.memory_space<hbm>>) dst(%dma_wait3A_50 : memref<256x64xf32, #tpu.memory_space<vmem>>)
    %dma_wait3A_53 = arith.constant 0 : i32
    %dma_wait3A_54 = arith.constant 0 : i32
    %dma_wait3A_55 = arith.constant 0 : i32
    %dma_wait3A_56 = tpu.memref_slice %arg6[%dma_wait3A_54, %dma_wait3A_55] : memref<256x128xf32, #tpu.memory_space<vmem>> -> memref<256x64xf32, #tpu.memory_space<vmem>>
    %dma_wait3A_57 = tpu.memref_slice %arg4[%dma_wait3A_53, %mul3A_32, %mul3A_37] : memref<50x8192x128xf32, #tpu.memory_space<hbm>> -> memref<1x256x64xf32, #tpu.memory_space<hbm>>
    %dma_wait3A_58 = tpu.memref_squeeze %dma_wait3A_57 : memref<1x256x64xf32, #tpu.memory_space<hbm>> -> memref<256x64xf32, #tpu.memory_space<hbm>>
    %dma_wait3A_59 = arith.constant 0 : i32
    %dma_wait3A_60 = arith.constant 0 : i32
    %dma_wait3A_61 = tpu.memref_slice %arg6[%dma_wait3A_59, %dma_wait3A_60] : memref<256x128xf32, #tpu.memory_space<vmem>> -> memref<256x64xf32, #tpu.memory_space<vmem>>
    %dma_wait3A_62 = tpu.memref_slice %arg4[%dma_wait3A_53, %mul3A_32, %mul3A_37] : memref<50x8192x128xf32, #tpu.memory_space<hbm>> -> memref<1x256x64xf32, #tpu.memory_space<hbm>>
    %dma_wait3A_63 = tpu.memref_squeeze %dma_wait3A_62 : memref<1x256x64xf32, #tpu.memory_space<hbm>> -> memref<256x64xf32, #tpu.memory_space<hbm>>
    tpu.wait_dma2 semaphore(%arg10 : memref<!tpu.dma_semaphore, #tpu.memory_space<semaphore_mem>>) src(%dma_wait3A_63 : memref<256x64xf32, #tpu.memory_space<hbm>>) dst(%dma_wait3A_61 : memref<256x64xf32, #tpu.memory_space<vmem>>)
    return
  }
}

module attributes {stable_mosaic.version = 14 : i64} {
  func.func @_transform_body(%arg0: i32, %arg1: memref<64x8192xf32, #tpu.memory_space<vmem>>, %arg2: memref<128x64xf32, #tpu.memory_space<vmem>>, %arg3: memref<64x128xf32, #tpu.memory_space<vmem>>, %arg4: memref<1x128xf32, #tpu.memory_space<vmem>>, %arg5: memref<1x64xf32, #tpu.memory_space<vmem>>, %arg6: memref<8192x128xf32, #tpu.memory_space<vmem>>) attributes {dimension_semantics = [#tpu.dimension_semantics<arbitrary>], iteration_bounds = array<i64: 123>, scalar_prefetch = 0 : i64, scratch_operands = 0 : i64, tpu.core_type = #tpu.core_type<tc>, window_params = [{transform_indices = @transform_0, window_bounds = array<i64: 64, 8192>}, {pipeline_mode = #tpu.pipeline_mode<synchronous>, transform_indices = @transform_1, window_bounds = array<i64: 128, 64>}, {pipeline_mode = #tpu.pipeline_mode<synchronous>, transform_indices = @transform_2, window_bounds = array<i64: 64, 128>}, {pipeline_mode = #tpu.pipeline_mode<synchronous>, transform_indices = @transform_3, window_bounds = array<i64: 1, 128>}, {pipeline_mode = #tpu.pipeline_mode<synchronous>, transform_indices = @transform_4, window_bounds = array<i64: 1, 64>}, {transform_indices = @transform_5, window_bounds = array<i64: 8192, 128>}]} {
    %get3A = arith.constant 0 : index
    %get3A_0 = arith.constant 0 : index
    %get3A_1 = vector.load %arg2[%get3A, %get3A_0] : memref<128x64xf32, #tpu.memory_space<vmem>>, vector<128x64xf32>
    %get3A_2 = arith.constant 0 : index
    %get3A_3 = arith.constant 0 : index
    %get3A_4 = vector.load %arg3[%get3A_2, %get3A_3] : memref<64x128xf32, #tpu.memory_space<vmem>>, vector<64x128xf32>
    %dot_general3A = arith.constant dense<0.000000e+00> : vector<64x64xf32>
    %dot_general3A_5 = tpu.matmul %get3A_1, %get3A_4, %dot_general3A {dimension_numbers = #tpu.dot_dimension_numbers<[0], [1], [1], [0], [0, 1, 1, 0], [], []>, transpose_lhs_hint = false} : vector<128x64xf32>, vector<64x128xf32>, vector<64x64xf32> -> vector<64x64xf32>
    %get3A_6 = arith.constant 0 : index
    %get3A_7 = arith.constant 0 : index
    %get3A_8 = vector.load %arg4[%get3A_6, %get3A_7] : memref<1x128xf32, #tpu.memory_space<vmem>>, vector<1x128xf32>
    %get3A_9 = arith.constant 0 : index
    %get3A_10 = arith.constant 0 : index
    %get3A_11 = vector.load %arg3[%get3A_9, %get3A_10] : memref<64x128xf32, #tpu.memory_space<vmem>>, vector<64x128xf32>
    %dot_general3A_12 = arith.constant dense<0.000000e+00> : vector<1x64xf32>
    %dot_general3A_13 = tpu.matmul %get3A_8, %get3A_11, %dot_general3A_12 {dimension_numbers = #tpu.dot_dimension_numbers<[1], [1], [0], [0], [0, 0, 1, 0], [], []>, transpose_lhs_hint = false} : vector<1x128xf32>, vector<64x128xf32>, vector<1x64xf32> -> vector<1x64xf32>
    %get3A_14 = arith.constant 0 : index
    %get3A_15 = arith.constant 0 : index
    %get3A_16 = vector.load %arg5[%get3A_14, %get3A_15] : memref<1x64xf32, #tpu.memory_space<vmem>>, vector<1x64xf32>
    %add3A = arith.addf %dot_general3A_13, %get3A_16 : vector<1x64xf32>
    %get3A_17 = arith.constant 0 : index
    %get3A_18 = arith.constant 0 : index
    %get3A_19 = vector.load %arg1[%get3A_17, %get3A_18] : memref<64x8192xf32, #tpu.memory_space<vmem>>, vector<64x8192xf32>
    %dot_general3A_20 = arith.constant dense<0.000000e+00> : vector<8192x64xf32>
    %dot_general3A_21 = tpu.matmul %get3A_19, %dot_general3A_5, %dot_general3A_20 {dimension_numbers = #tpu.dot_dimension_numbers<[0], [0], [1], [1], [0, 1, 1, 1], [], []>, transpose_lhs_hint = false} : vector<64x8192xf32>, vector<64x64xf32>, vector<8192x64xf32> -> vector<8192x64xf32>
    %add3A_22 = vector.broadcast %add3A : vector<1x64xf32> to vector<8192x64xf32>
    %add3A_23 = arith.addf %dot_general3A_21, %add3A_22 : vector<8192x64xf32>
    %swap3A = arith.constant 0 : index
    %swap3A_24 = arith.constant 0 : index
    %swap3A_25 = vector.load %arg6[%swap3A, %swap3A_24] : memref<8192x128xf32, #tpu.memory_space<vmem>>, vector<8192x64xf32>
    tpu.vector_store %arg6[%swap3A, %swap3A_24], %add3A_23 {strides = array<i32>} : memref<8192x128xf32, #tpu.memory_space<vmem>>, vector<8192x64xf32>,
    return
  }
  func.func @transform_0(%arg0: i32) -> (i32, i32) {
    %c0_i32 = arith.constant 0 : i32
    %c0_i32_0 = arith.constant 0 : i32
    return %c0_i32, %arg0 : i32, i32
  }
  func.func @transform_1(%arg0: i32) -> (i32, i32) {
    %c0_i32 = arith.constant 0 : i32
    %c0_i32_0 = arith.constant 0 : i32
    %c0_i32_1 = arith.constant 0 : i32
    return %c0_i32, %c0_i32_0 : i32, i32
  }
  func.func @transform_2(%arg0: i32) -> (i32, i32) {
    %c0_i32 = arith.constant 0 : i32
    %c0_i32_0 = arith.constant 0 : i32
    %c0_i32_1 = arith.constant 0 : i32
    return %c0_i32, %c0_i32_0 : i32, i32
  }
  func.func @transform_3(%arg0: i32) -> (i32, i32) {
    %c0_i32 = arith.constant 0 : i32
    %c0_i32_0 = arith.constant 0 : i32
    %c0_i32_1 = arith.constant 0 : i32
    return %c0_i32, %c0_i32_0 : i32, i32
  }
  func.func @transform_4(%arg0: i32) -> (i32, i32) {
    %c0_i32 = arith.constant 0 : i32
    %c0_i32_0 = arith.constant 0 : i32
    %c0_i32_1 = arith.constant 0 : i32
    return %c0_i32, %c0_i32_0 : i32, i32
  }
  func.func @transform_5(%arg0: i32) -> (i32, i32) {
    %c0_i32 = arith.constant 0 : i32
    %c0_i32_0 = arith.constant 0 : i32
    return %arg0, %c0_i32 : i32, i32
  }
}

module attributes {stable_mosaic.version = 14 : i64} {
  func.func @_transpose_body(%arg0: i32, %arg1: memref<1x8192x128xf32, #tpu.memory_space<vmem>>, %arg2: memref<1x64x16384xf32, #tpu.memory_space<vmem>>) attributes {dimension_semantics = [#tpu.dimension_semantics<arbitrary>], iteration_bounds = array<i64: 50>, scalar_prefetch = 0 : i64, scratch_operands = 0 : i64, tpu.core_type = #tpu.core_type<tc>, window_params = [{transform_indices = @transform_0, window_bounds = array<i64: 1, 8192, 128>}, {transform_indices = @transform_1, window_bounds = array<i64: 1, 64, 16384>}]} {
    %get3A = arith.constant 0 : index
    %get3A_0 = arith.constant 0 : index
    %get3A_1 = arith.constant 0 : index
    %get3A_2 = vector.load %arg1[%get3A, %get3A_0, %get3A_1] : memref<1x8192x128xf32, #tpu.memory_space<vmem>>, vector<1x8192x128xf32>
    %get3A_3 = vector.shape_cast %get3A_2 : vector<1x8192x128xf32> to vector<8192x128xf32>
    %iota3A = tpu.iota {dimensions = array<i32: 0>} : vector<128x128xi32>
    %iota3A_4 = tpu.iota {dimensions = array<i32: 1>} : vector<128x128xi32>
    %eq3A = arith.cmpi eq, %iota3A, %iota3A_4 : vector<128x128xi32>
    %jit3A = arith.constant 1.000000e+00 : f32
    %jit3A_5 = arith.constant 0.000000e+00 : f32
    %broadcast_in_dim3A = vector.broadcast %jit3A : f32 to vector<128x128xf32>
    %broadcast_in_dim3A_6 = vector.broadcast %jit3A_5 : f32 to vector<128x128xf32>
    %select_n3A = arith.select %eq3A, %broadcast_in_dim3A, %broadcast_in_dim3A_6 : vector<128x128xi1>, vector<128x128xf32>
    %dot_general3A = arith.constant dense<0.000000e+00> : vector<128x8192xf32>
    %dot_general3A_7 = tpu.matmul %select_n3A, %get3A_3, %dot_general3A {dimension_numbers = #tpu.dot_dimension_numbers<[1], [1], [0], [0], [0, 0, 1, 0], [], []>, transpose_lhs_hint = false} : vector<128x128xf32>, vector<8192x128xf32>, vector<128x8192xf32> -> vector<128x8192xf32>
    %slice3A = vector.extract_strided_slice %dot_general3A_7 {offsets = [0, 0], sizes = [64, 8192], strides = [1, 1]} : vector<128x8192xf32> to vector<64x8192xf32>
    %swap3A = arith.constant 0 : index
    %swap3A_8 = arith.constant 0 : index
    %swap3A_9 = arith.constant 0 : index
    %swap3A_10 = vector.load %arg2[%swap3A, %swap3A_8, %swap3A_9] : memref<1x64x16384xf32, #tpu.memory_space<vmem>>, vector<1x64x8192xf32>
    %swap3A_11 = vector.shape_cast %swap3A_10 : vector<1x64x8192xf32> to vector<64x8192xf32>
    %swap3A_12 = vector.shape_cast %slice3A : vector<64x8192xf32> to vector<1x64x8192xf32>
    tpu.vector_store %arg2[%swap3A, %swap3A_8, %swap3A_9], %swap3A_12 {strides = array<i32>} : memref<1x64x16384xf32, #tpu.memory_space<vmem>>, vector<1x64x8192xf32>,
    %slice3A_13 = vector.extract_strided_slice %dot_general3A_7 {offsets = [64, 0], sizes = [64, 8192], strides = [1, 1]} : vector<128x8192xf32> to vector<64x8192xf32>
    %swap3A_14 = arith.constant 0 : index
    %swap3A_15 = arith.constant 0 : index
    %swap3A_16 = arith.constant 8192 : index
    %swap3A_17 = vector.load %arg2[%swap3A_14, %swap3A_15, %swap3A_16] : memref<1x64x16384xf32, #tpu.memory_space<vmem>>, vector<1x64x8192xf32>
    %swap3A_18 = vector.shape_cast %swap3A_17 : vector<1x64x8192xf32> to vector<64x8192xf32>
    %swap3A_19 = vector.shape_cast %slice3A_13 : vector<64x8192xf32> to vector<1x64x8192xf32>
    tpu.vector_store %arg2[%swap3A_14, %swap3A_15, %swap3A_16], %swap3A_19 {strides = array<i32>} : memref<1x64x16384xf32, #tpu.memory_space<vmem>>, vector<1x64x8192xf32>,
    return
  }
  func.func @transform_0(%arg0: i32) -> (i32, i32, i32) {
    %c0_i32 = arith.constant 0 : i32
    %c0_i32_0 = arith.constant 0 : i32
    %c0_i32_1 = arith.constant 0 : i32
    return %arg0, %c0_i32, %c0_i32_0 : i32, i32, i32
  }
  func.func @transform_1(%arg0: i32) -> (i32, i32, i32) {
    %c0_i32 = arith.constant 0 : i32
    %c0_i32_0 = arith.constant 0 : i32
    %c0_i32_1 = arith.constant 0 : i32
    return %arg0, %c0_i32, %c0_i32_0 : i32, i32, i32
  }
}

</mosaic_0001>

<sc_bundles>
// kernel: kernel.5.cloned.1.call-start
scs
__scs_entry_jumppad:
0x0: {  	(pc) =	sbr.rel $0x88, $3  }
0x1: {  	(tag) =	ssettag $0x0;
	lr =	simm.s32 $0x1  }
0x2: {  	[smem:$0x3F9B] =	sst lr;
	_ =	strace $0xD0000000  }
0x3: {  	_ = 	snop  }
0x4: {  	_ = 	snop  }
0x5: {  	_ = 	snop  }
0x6: {  	_ = 	snop  }
0x7: {  	_ = 	snop  }
__scs_overlays_trampoline_lowered:
0x8: {  	[smem:$0x3FAA] =	sst s0  }
0x9: {  	[smem:$0x3FAB] =	sst s1  }
0xa: {  	[smem:$0x3FAC] =	sst s2  }
0xb: {  	[smem:$0x3FAD] =	sst s3  }
0xc: {  	[smem:$0x3FAE] =	sst s4  }
0xd: {  	[smem:$0x3FAF] =	sst s5  }
0xe: {  	[smem:$0x3FB0] =	sst s6  }
0xf: {  	[smem:$0x3FB1] =	sst s7  }
0x10: {  	[smem:$0x3FB2] =	sst s8  }
0x11: {  	[smem:$0x3FB3] =	sst s9;
	s0 =	simm.s32 @!p0 $0x0  }
0x12: {  	s1 =	sld [smem:$0x3F99];
	s0 =	simm.s32 @p0 $0x1  }
0x13: {  	[smem:$0x3FB4] =	sst s0;
	s0 =	simm.s32 @!p1 $0x0  }
0x14: {  	s2 =	sld [smem:$0x3F98];
	s0 =	simm.s32 @p1 $0x1  }
0x15: {  	[smem:$0x3FB5] =	sst s0;
	s0 =	simm.s32 @!p2 $0x0  }
0x16: {  	s3 =	sld [smem:$0x3FDB];
	s0 =	simm.s32 @p2 $0x1  }
0x17: {  	s4 =	simm.s32 $0x1BF5;
	[smem:$0x3FB7] =	sst s0  }
0x18: {  	s0 =	sld [smem:$0x3F9A];
	_ =	swait.ge [sflag:s4], $0x0  }
0x19: {  	s7 =	sld [smem:$0x3F9B]  }
0x1a: {  	s8 =	sadd.s32 $0xFFFFE003, lr  }
0x1b: {  	s9 =	sadd.s32 $0xFFFFFEF7, lr;
	s5 =	simm.s32 $0xFFFFFFFF;
	p2 =	slt.u32 s8, $0xFFFFF086  }
0x1c: {  	p1 =	slt.u32 s9, $0xF7A;
	s5 =	simm.s32 @!p2 $0x0  }
0x1d: {  	s5 =	simm.s32 @p1 $0x1;
	p0 =	seq.s32 s7, s2  }
0x1e: {  	s7 =	smul.u32 @!p0 $0xF7A, s2;
	p2 =	seq.s32 @!p0 s5, $0x0  }
0x1f: {  	s9 =	smul.u32 $0xF7A, s1;
	s8 =	simm.s32 @!p0 $0x1BF5;
	p2 =	por !p2, p0  }
0x20: {  	[sflag:s8] =	ssyncset.s32 @!p0 $0xFFFFF086;
	s6 =	sadd.s32 @!p0 s3, s7;
	s7 =	simm.s32 @!p0 $0x108  }
0x21: {  	s3 =	sadd.s32 s3, s9;
	s6 =	sadd.s32 @!p0 $0x88, s6;
	s7 =	simm.s32 @p2 $0x1082  }
0x22: {  	[simem:s7], [sflag:s8] =	dma.local @!p0 [hbm:s6], $0xF7A  }
0x23: {  	s9 =	sor.u32 $0xD0000000, s2;
	s6 =	simm.s32 $0x108;
	_ =	swait.ge @!p0 [sflag:s8], $0x0  }
0x24: {  	s3 =	sadd.s32 $0x88, s3;
	s6 =	simm.s32 @!p1 $0x1082;
	[sflag:s4] =	ssyncset.s32 $0xFFFFF086  }
0x25: {  	[simem:s6], [sflag:s4] =	dma.local [hbm:s3], $0xF7A  }
0x26: {  	[smem:$0x3F9B] =	sst s1;
	(tag) =	ssettag s2;
	_ =	strace s9  }
0x27: {  	s1 =	sld [smem:$0x3FAB]  }
0x28: {  	s2 =	sld [smem:$0x3FAC]  }
0x29: {  	s4 =	sld [smem:$0x3FAE]  }
0x2a: {  	p0 =	seq.s32 s5, $0x0;
	s5 =	sld [smem:$0x3FAF]  }
0x2b: {  	s6 =	sld [smem:$0x3FB0]  }
0x2c: {  	s7 =	sld [smem:$0x3FB1]  }
0x2d: {  	s3 =	simm.s32 $0x108;
	s8 =	sld [smem:$0x3FB2]  }
0x2e: {  	s3 =	simm.s32 @!p0 $0x1082;
	s9 =	sld [smem:$0x3FB3]  }
0x2f: {  	lr =	sadd.s32 s0, s3;
	s0 =	sld [smem:$0x3FAA]  }
0x30: {  	s3 =	sld [smem:$0x3FAD]  }
0x31: {  	[smem:$0x3FB6] =	sst s10  }
0x32: {  	s10 =	sld [smem:$0x3FB4];
	_ =	sdelay $0x3  }
0x33: {  	p0 =	seq.s32 s10, $0x1;
	s10 =	sld [smem:$0x3FB6];
	_ =	sdelay $0x3  }
0x34: {  	[smem:$0x3FB6] =	sst s10  }
0x35: {  	s10 =	sld [smem:$0x3FB5];
	_ =	sdelay $0x3  }
0x36: {  	p1 =	seq.s32 s10, $0x1;
	s10 =	sld [smem:$0x3FB6];
	_ =	sdelay $0x3  }
0x37: {  	[smem:$0x3FB6] =	sst s10  }
0x38: {  	s10 =	sld [smem:$0x3FB7]  }
0x39: {  	_ = 	snop;
	(pc) =	sbr.ind lr, $3  }
0x3a: {  	_ = 	snop  }
0x3b: {  	_ = 	snop  }
0x3c: {  	p2 =	seq.s32 s10, $0x1;
	s10 =	sld [smem:$0x3FB6]  }
0x3d: {  	_ =	shalt  }
0x3e: {  	_ =	shalt  }
0x3f: {  	_ =	shalt  }
0x40: {  	_ =	shalt  }
0x41: {  	_ =	shalt  }
0x42: {  	_ =	shalt  }
0x43: {  	_ =	shalt  }
0x44: {  	_ =	shalt  }
0x45: {  	_ =	shalt  }
0x46: {  	_ =	shalt  }
0x47: {  	_ =	shalt  }
0x48: {  	_ =	shalt  }
0x49: {  	_ =	shalt  }
0x4a: {  	_ =	shalt  }
0x4b: {  	_ =	shalt  }
0x4c: {  	_ =	shalt  }
0x4d: {  	_ =	shalt  }
0x4e: {  	_ =	shalt  }
0x4f: {  	_ =	shalt  }
0x50: {  	_ =	shalt  }
0x51: {  	_ =	shalt  }
0x52: {  	_ =	shalt  }
0x53: {  	_ =	shalt  }
0x54: {  	_ =	shalt  }
0x55: {  	_ =	shalt  }
0x56: {  	_ =	shalt  }
0x57: {  	_ =	shalt  }
0x58: {  	_ =	shalt  }
0x59: {  	_ =	shalt  }
0x5a: {  	_ =	shalt  }
0x5b: {  	_ =	shalt  }
0x5c: {  	_ =	shalt  }
0x5d: {  	_ =	shalt  }
0x5e: {  	_ =	shalt  }
0x5f: {  	_ =	shalt  }
0x60: {  	_ =	shalt  }
0x61: {  	_ =	shalt  }
0x62: {  	_ =	shalt  }
0x63: {  	_ =	shalt  }
0x64: {  	_ =	shalt  }
0x65: {  	_ =	shalt  }
0x66: {  	_ =	shalt  }
0x67: {  	_ =	shalt  }
0x68: {  	_ =	shalt  }
0x69: {  	_ =	shalt  }
0x6a: {  	_ =	shalt  }
0x6b: {  	_ =	shalt  }
0x6c: {  	_ =	shalt  }
0x6d: {  	_ =	shalt  }
0x6e: {  	_ =	shalt  }
0x6f: {  	_ =	shalt  }
0x70: {  	_ =	shalt  }
0x71: {  	_ =	shalt  }
0x72: {  	_ =	shalt  }
0x73: {  	_ =	shalt  }
0x74: {  	_ =	shalt  }
0x75: {  	_ =	shalt  }
0x76: {  	_ =	shalt  }
0x77: {  	_ =	shalt  }
0x78: {  	_ =	shalt  }
0x79: {  	_ =	shalt  }
0x7a: {  	_ =	shalt  }
0x7b: {  	_ =	shalt  }
0x7c: {  	_ =	shalt  }
0x7d: {  	_ =	shalt  }
0x7e: {  	_ =	shalt  }
0x7f: {  	_ =	shalt  }
0x80: {  	_ =	shalt  }
0x81: {  	_ =	shalt  }
0x82: {  	_ =	shalt  }
0x83: {  	_ =	shalt  }
0x84: {  	_ =	shalt  }
0x85: {  	_ =	shalt  }
0x86: {  	_ =	shalt  }
0x87: {  	_ =	shalt  }
.Lfunc_end0:
.L_simem_size_0:
called_computation_lowered:
.L_overlay_start_0:
0x88: {  	s2 =	sld [smem:$0x3FD9]  }
0x89: {  	s3 =	sld [smem:$0x3FFE];
	_ =	sdelay $0x1  }
0x8a: {  	s1 =	srdreg.scid  }
0x8b: {  	s0 =	sand.u32 $0x1, s1  }
0x8c: {  	s17 =	sshll.u32 s0, $0xA;
	s2 =	sadd.s32 s3, s2  }
0x8d: {  	s2 =	sadd.s32 s2, s17  }
0x8e: {  	[smem:$0x3FC2] =	sst s2  }
0x8f: {  	_ = 	snop  }
0x90: {  	s2 =	sld [smem:$0x3FD0];
	(tm) =	ssettm $0x1  }
0x91: {  	s18 =	sld [smem:$0x3FFB];
	_ =	sdelay $0x3  }
0x92: {  	_ =	strace s18  }
0x93: {  	s3 =	sld [smem:$0x3FFC];
	_ =	sdelay $0x3  }
0x94: {  	_ =	strace s3  }
0x95: {  	s3 =	sld [smem:$0x3FFD];
	_ =	sdelay $0x3  }
0x96: {  	_ =	strace s3  }
0x97: {  	_ =	strace $0x8FFFFFFF  }
0x98: {  	s19 =	sld [smem:$0x3FDB];
	_ =	sdelay $0x1  }
0x99: {  	s4 =	simm.s32 $_scs_section_size  }
0x9a: {  	s5 =	simm.s32 $_size__tile_overlayer_lowered;
	s6 =	simm.s32 $_tile_overlayer_lowered  }
0x9b: {  	s22 =	simm.s32 $0x1BFF;
	s21 =	sshll.u32 s6, $0x1;
	s3 =	sadd.s32 s4, s19  }
0x9c: {  	s7 =	simm.s32 $0x0;
	s20 =	sshll.u32 s5, $0x1;
	s5 =	sadd.s32 s21, s3  }
0x9d: {  	[timem:s7], [sflag:s22] =	dma.local [hbm:s5], s20  }
0x9e: {  	_ =	swait.ge [sflag:s22], s20  }
0x9f: {  	s4 =	ssub.s32 $0x0, s20;
	[sflag:s22] =	ssyncset.done $0x0  }
0xa0: {  	[sflag:s22] =	ssyncadd.s32 s4;
	_ =	sdelay $0x1  }
0xa1: {  	s23 =	simm.s32 $0x1B8B  }
0xa2: {  	_ =	swait.ge [sflag:s23], $0x1  }
0xa3: {  	[sflag:s23] =	ssyncset.done $0x0  }
0xa4: {  	s25 =	simm.s32 $0x1B8E;
	s24 =	sld [smem:$0x3FFE];
	[sflag:s23] =	ssyncadd.s32 $0xFFFFFFFF  }
0xa5: {  	s26 =	simm.s32 $execute0_lowered;
	[smem:$0x3FD2] =	sst s25  }
0xa6: {  	s5 =	sshll.u32 s26, $0x1;
	_ =	strace $0x80000046;
	[dreg:$0x1] =	wrdreg $0xFFFFFFFF  }
0xa7: {  	s28 =	simm.s32 $_size_execute0_lowered;
	s3 =	sadd.s32 s3, s5;
	[dreg:$0x0] =	wrdreg $0x0  }
0xa8: {  	s5 =	sshll.u32 s28, $0x1;
	[dreg:$0x2] =	wrdreg s3  }
0xa9: {  	[dreg:$0x3] =	wrdreg s5  }
0xaa: {  	[dreg:$0x4] =	wrdreg $0xC0  }
0xab: {  	_ =	task [dreg:s7], $0x5FFFF  }
0xac: {  	[dreg:$0x1] =	wrdreg $0xFFFFFFFF  }
0xad: {  	[dreg:$0x0] =	wrdreg $0x60  }
0xae: {  	[dreg:$0x2] =	wrdreg s24  }
0xaf: {  	[dreg:$0x3] =	wrdreg s2  }
0xb0: {  	[dreg:$0x4] =	wrdreg $0x9  }
0xb1: {  	_ =	task.clear_ibuf [dreg:s7], $0x5FFFF;
	_ =	strace $0x90000046  }
0xb2: {  	s29 =	simm.s32 $0x9;
	_ =	strace $0x80000048  }
0xb3: {  	_ =	swait.ge [sflag:s29], $0x1  }
0xb4: {  	[sflag:s29] =	ssyncadd.s32 $0xFFFFFFFF  }
0xb5: {  	_ =	strace $0x90000048  }
0xb6: {  	_ =	sfence  }
0xb7: {  	s30 =	sld [smem:$0x0];
	_ =	sdelay $0x2  }
0xb8: {  	s31 =	sshll.u32 s1, $0xD;
	s1 =	sshrl.u32 s1, $0x2  }
0xb9: {  	s3 =	sand.u32 $0x4000, s31;
	s1 =	sadd.s32 s1, s30  }
0xba: {  	s0 =	sor.u32 s3, s0;
	s1 =	sshll.u32 s1, $0x11  }
0xbb: {  	s0 =	sor.u32 s1, s0  }
0xbc: {  	s0 =	sadd.s32 $0x8F2B, s0  }
0xbd: {  	[sflag:s0] =	ssyncadd.remote.s32 $0x1  }
0xbe: {  	_ =	sfence.sel $0xFFFF  }
0xbf: {  	[dreg:$0x0] =	wrdreg $0xFFFFFFFF;
	(pc) =	sbr.abs _section_cstart, $3  }
0xc0: {  	[dreg:$0x1] =	wrdreg $0xFFFFFFFF  }
0xc1: {  	_ =	task.clear_ibuf [dreg:s7], $0x2FFFF;
	_ =	strace $0x9FFFFFFF  }
0xc2: {  	(tm) =	ssettm $0x7FFFFFFF  }
0xc3: {  	_ =	shalt  }
tec
execute0_lowered:
.L_overlay_start_1:
0x0: {  	(tag) =	ssettag $0x1  }
0x1: {  	s4 =	rddreg [dreg:$0x0]  }
0x2: {  	s5 =	rddreg [dreg:$0x1]  }
0x3: {  	s0 =	rddreg [dreg:$0x2]  }
0x4: {  	s1 =	simm.s32 $0x0;
	s6 =	srdreg.scid;
	s2 =	stileid.u32  }
0x5: {  	s11 =	simm.s32 $0x80;
	s12 =	simm.s32 $0xA400;
	s13 =	simm.s32 $0x1  }
0x6: {  	s14 =	simm.s32 $0x12400;
	s15 =	simm.s32 $0x2;
	s16 =	simm.s32 $0x3  }
0x7: {  	s17 =	simm.s32 $0x0;
	[smem:$0x7FF] =	sst s1;
	s3 =	sadd.s32 $0xA00, s4  }
0x8: {  	s4 =	sadd.s32 $0xF42E00, s4;
	s6 =	sand.u32 $0x1, s6;
	s7 =	sshll.u32 s2, $0x1  }
0x9: {  	s9 =	sshrl.u32 s2, $0x3;
	_ =	strace $0x80000047;
	s8 =	ssub.s32 $0x2, s6  }
0xa: {  	s7 =	sand.u32 $0xE, s7;
	s29 =	sshll.u32 s9, $0xA;
	s31 =	sshll.u32 s9, $0x6  }
0xb: {  	s9 =	simm.s32 $0x4000;
	s10 =	sshrl.u32 s8, $0x1;
	s6 =	sor.u32 s6, s7  }
0xc: {  	s5 =	sadd.s32 s5, s29;
	s8 =	ssub.s32 s8, s10;
	s30 =	sshll.u32 s6, $0x6  }
0xd: {  	s6 =	sshll.u32 s6, $0x10;
	s10 =	simm.s32 $0x4;
	s5 =	sadd.s32 s30, s5  }
0xe: {  	s6 =	sor.u32 s31, s6;
	s7 =	smax.u32 s8, $0x1;
	s8 =	simm.s32 $0x200  }
.LBB2_1:
0xf: {  	[tilespmem:s1], [sflag:$0x4] =	stream.strided.gather [hbm4b:s5+s8], $0x6400, s9, s8, $0x38;
	[tilespmem:$0x16400] =	vst v63  }
0x10: {  	_ =	swait.ge [sflag:s10], $0x6400  }
0x11: {  	[sflag:s10] =	ssyncset.done $0x0  }
0x12: {  	s18 =	simm.s32 $0x0;
	[sflag:s10] =	ssyncadd.s32 $0xFFFF9C00  }
.LBB2_2:
0x13: {  	p0 =	seq.s32 s18, $0x0  }
0x14: {  	s19 =	simm.s32 @!p0 $0x2  }
0x15: {  	_ =	swait.ge @!p0 [sflag:s19], $0x4000  }
0x16: {  	s20 =	sshll.u32 s18, $0x9;
	[sflag:s19] =	ssyncset.done @!p0 $0x0  }
0x17: {  	s21 =	simm.s32 $0x6400;
	[sflag:s19] =	ssyncadd.s32 @!p0 $0xFFFFC000;
	s19 =	sand.u32 $0x3FFFFE00, s20  }
0x18: {  	[tilespmem:s21], [sflag:$0x1] =	stream.indirect.gather [hbm4b:s3+s11], $0x80, s19, s11, $0xb8;
	[tilespmem:$0x16400] =	vst v63  }
0x19: {  	s20 =	sor.u32 $0x80, s19  }
0x1a: {  	[tilespmem:s12], [sflag:$0x1] =	stream.indirect.gather [hbm4b:s3+s11], $0x80, s20, s11, $0xb8;
	[tilespmem:$0x16400] =	vst v63  }
0x1b: {  	_ =	swait.ge [sflag:s13], $0x4000  }
0x1c: {  	s31 =	sshll.u32 s18, $0x14;
	[sflag:s13] =	ssyncset.done $0x0  }
0x1d: {  	s20 =	sor.u32 s31, s6;
	[sflag:s13] =	ssyncadd.s32 $0xFFFFC000  }
0x1e: {  	s20 =	sshrl.u32 s20, $0x3;
	_ =	swait.ge [sflag:s13], $0x4000  }
0x1f: {  	s23 =	simm.s32 $0x10;
	s22 =	sadd.s32 s4, s20;
	[sflag:s13] =	ssyncset.done $0x0  }
0x20: {  	s24 =	simm.s32 $0x6480;
	s25 =	sadd.s32 $0x0, s22;
	[sflag:s13] =	ssyncadd.s32 $0xFFFFC000  }
.LBB2_3:
0x21: {  	[hbm4b:s25+s1] =	stream.linear.scatter [tilespmem:s21], [sflag:$0x2], $0x40, $0x38;
	[tilespmem:$0x16400] =	vst v63  }
0x22: {  	s25 =	smov.u32 s23;
	s21 =	smov.u32 s24;
	p1 =	sne.s32 s23, $0xFF0  }
.Ltmp0:
0x23: {  	s23 =	sadd.s32 $0x10, s23;
	(pc) =	sbr.rel @p1 .LBB2_3-.Ltmp0, $2  }
0x24: {  	_ =	sdelay $0x2  }
0x25: {  	s24 =	sadd.s32 $0x80, s24;
	s25 =	sadd.s32 s25, s22  }
0x26: {  	[hbm4b:s25+s1] =	stream.linear.scatter [tilespmem:s21], [sflag:$0x2], $0x40, $0x38;
	[tilespmem:$0x16400] =	vst v63  }
0x27: {  	s21 =	simm.s32 @!p0 $0x3  }
0x28: {  	_ =	swait.ge @!p0 [sflag:s21], $0x4000  }
0x29: {  	[sflag:s21] =	ssyncset.done @!p0 $0x0  }
0x2a: {  	s22 =	sadd.s32 $0x100, s19;
	[sflag:s21] =	ssyncadd.s32 @!p0 $0xFFFFC000;
	s21 =	simm.s32 $0xE400  }
0x2b: {  	[tilespmem:s21], [sflag:$0x1] =	stream.indirect.gather [hbm4b:s3+s11], $0x80, s22, s11, $0xb8;
	[tilespmem:$0x16400] =	vst v63  }
0x2c: {  	s30 =	sadd.s32 $0x180, s19  }
0x2d: {  	[tilespmem:s14], [sflag:$0x1] =	stream.indirect.gather [hbm4b:s3+s11], $0x80, s30, s11, $0xb8;
	[tilespmem:$0x16400] =	vst v63  }
0x2e: {  	_ =	swait.ge [sflag:s13], $0x4000  }
0x2f: {  	[sflag:s13] =	ssyncset.done $0x0  }
0x30: {  	[sflag:s13] =	ssyncadd.s32 $0xFFFFC000  }
0x31: {  	s31 =	sor.u32 $0x1000, s20;
	_ =	swait.ge [sflag:s13], $0x4000  }
0x32: {  	s20 =	simm.s32 $0x10;
	s19 =	sadd.s32 s4, s31;
	[sflag:s13] =	ssyncset.done $0x0  }
0x33: {  	s23 =	sadd.s32 $0x0, s19;
	s22 =	simm.s32 $0xE480;
	[sflag:s13] =	ssyncadd.s32 $0xFFFFC000  }
.LBB2_5:
0x34: {  	[hbm4b:s23+s1] =	stream.linear.scatter [tilespmem:s21], [sflag:$0x3], $0x40, $0x38;
	[tilespmem:$0x16400] =	vst v63  }
0x35: {  	s23 =	smov.u32 s20;
	s21 =	smov.u32 s22;
	p0 =	sne.s32 s20, $0xFF0  }
.Ltmp1:
0x36: {  	s20 =	sadd.s32 $0x10, s20;
	(pc) =	sbr.rel @p0 .LBB2_5-.Ltmp1, $2  }
0x37: {  	_ =	sdelay $0x2  }
0x38: {  	s22 =	sadd.s32 $0x80, s22;
	s23 =	sadd.s32 s23, s19  }
0x39: {  	s18 =	sadd.s32 $0x1, s18  }
0x3a: {  	p0 =	sne.s32 s18, $0x32  }
.Ltmp2:
0x3b: {  	_ = 	snop;
	(pc) =	sbr.rel @p0 .LBB2_2-.Ltmp2, $2  }
0x3c: {  	_ =	sdelay $0x2  }
0x3d: {  	[hbm4b:s23+s1] =	stream.linear.scatter [tilespmem:s21], [sflag:$0x3], $0x40, $0x38;
	[tilespmem:$0x16400] =	vst v63  }
0x3e: {  	s17 =	sadd.s32 $0x1, s17  }
0x3f: {  	_ =	swait.ge [sflag:s15], $0x4000;
	p0 =	sne.s32 s17, s7  }
.Ltmp3:
0x40: {  	[sflag:s15] =	ssyncset.done $0x0;
	(pc) =	sbr.rel @p0 .LBB2_1-.Ltmp3, $4  }
0x41: {  	[sflag:s15] =	ssyncadd.s32 $0xFFFFC000  }
0x42: {  	_ =	swait.ge [sflag:s16], $0x4000  }
0x43: {  	[sflag:s16] =	ssyncset.done $0x0  }
0x44: {  	[sflag:s16] =	ssyncadd.s32 $0xFFFFC000  }
0x45: {  	_ =	sfence.sel $0x180000  }
0x46: {  	[bflag:$0x0] =	sbarrier.arrive $0xFFFF  }
0x47: {  	p0 =	sne.s32 s2, $0x0;
	_ =	strace $0x90000047  }
0x48: {  	s0 =	sadd.s32 @!p0 $0x100000, s0;
	[bflag:$0x2] =	sbarrier.arrive $0xFFFF  }
0x49: {  	[sflag:s0] =	ssyncadd.tile.s32 @!p0 $0x1;
	_ =	shalt  }
.Lfunc_end2:
_tile_overlayer_lowered:
.L_overlay_start_2:
0x4a: {  	(tag) =	ssettag $0x2  }
0x4b: {  	s0 =	rddreg [dreg:$0x0];
	s2 =	stileid.u32  }
0x4c: {  	s1 =	rddreg [dreg:$0x1];
	p0 =	sne.s32 s2, $0x0  }
0x4d: {  	s3 =	rddreg [dreg:$0x2];
	[bflag:$0x3] =	sbarrier.arrive $0xFFFF;
	s2 =	simm.s32 @!p0 $0x1C04  }
0x4e: {  	[timem:s3], [sflag:s2] =	dma.local @!p0 [hbm:s0], s1  }
0x4f: {  	s0 =	simm.s32 @!p0 $0x4  }
0x50: {  	_ =	swait.ge @!p0 [sflag:s0], s1  }
0x51: {  	s1 =	ssub.s32 @!p0 $0x0, s1;
	[sflag:s0] =	ssyncset.done @!p0 $0x0  }
0x52: {  	[sflag:s0] =	ssyncadd.s32 @!p0 s1  }
0x53: {  	[bflag:$0x3] =	sbarrier.arrive $0xFFFF  }
0x54: {  	_ =	shalt  }

</sc_bundles>
